<compile_context>
chip_gen: v7x
topology: tpu7x:2x2x1
jax: 0.10.2.dev20260603
libtpu: 0.0.44.dev20260713+nightly
codegen_flags: <defaults>
</compile_context>

<pallas_src>
import functools

import jax
import jax.numpy as jnp
from jax import lax
from jax.experimental import pallas as pl
from jax.experimental.pallas import tpu as pltpu
from jax.experimental.pallas import tpu_sc as plsc

_NC = 2
_NS = 16
_NW = _NC * _NS

_IDX_W = 128
_ROWS_PER_CHUNK = 2
_CHUNK = _IDX_W * _ROWS_PER_CHUNK
_NBUF = 2


@functools.partial(jax.jit, static_argnames=("n2", "dim2"))
def _sc_lookup(W2, idx2d, *, n2, dim2):
    per_w = n2 // _NW
    chunks = per_w // _CHUNK
    rows_per_w = per_w // _IDX_W
    assert chunks % _NBUF == 0

    mesh = plsc.VectorSubcoreMesh(core_axis_name="c", subcore_axis_name="s")

    @functools.partial(
        pl.kernel,
        mesh=mesh,
        out_type=jax.ShapeDtypeStruct((n2, dim2), jnp.float32),
        scratch_types=[
            pltpu.VMEM((_NBUF, _ROWS_PER_CHUNK, _IDX_W), jnp.int32),
            pltpu.VMEM((_NBUF, _CHUNK, dim2), jnp.float32),
            pltpu.SemaphoreType.DMA((_NBUF,)),
            pltpu.SemaphoreType.DMA((_NBUF,)),
            pltpu.SemaphoreType.DMA((_NBUF,)),
        ],
    )
    def body(table_hbm, idx_hbm, out_hbm, idx_v, rows_v, isem, gsem, ssem):
        wid = lax.axis_index("s") * _NC + lax.axis_index("c")
        row0 = wid * rows_per_w

        def idx_load(g, b):
            return pltpu.make_async_copy(
                idx_hbm.at[pl.ds(row0 + g * _ROWS_PER_CHUNK, _ROWS_PER_CHUNK)],
                idx_v.at[b],
                isem.at[b],
            )

        def gather(g, b, j):
            return pltpu.make_async_copy(
                table_hbm.at[idx_v.at[b, j]],
                rows_v.at[b, pl.ds(j * _IDX_W, _IDX_W)],
                gsem.at[b],
            )

        def store(g, b):
            return pltpu.make_async_copy(
                rows_v.at[b],
                out_hbm.at[pl.ds((row0 + g * _ROWS_PER_CHUNK) * _IDX_W, _CHUNK)],
                ssem.at[b],
            )

        for b in range(_NBUF):
            idx_load(b, b).start()

        def outer(i, carry):
            g0 = i * _NBUF
            for b in range(_NBUF):
                g = g0 + b
                idx_load(g, b).wait()
                @pl.when(g0 > 0)
                def _():
                    store(g, b).wait()

                for j in range(_ROWS_PER_CHUNK):
                    gather(g, b, j).start()
                for j in range(_ROWS_PER_CHUNK):
                    gather(g, b, j).wait()

                @pl.when(g0 < chunks - _NBUF)
                def _():
                    idx_load(g + _NBUF, b).start()

                store(g, b).start()
            return carry

        lax.fori_loop(0, chunks // _NBUF, outer, 0)
        for b in range(_NBUF):
            store(chunks - _NBUF + b, b).wait()

    return body(W2, idx2d)


def kernel(x, W):
    b0, b1 = x.shape
    vocab, dim = W.shape
    n2 = b0 * b1 // 2
    W2 = jnp.concatenate(
        [jnp.repeat(W, vocab, axis=0), jnp.tile(W, (vocab, 1))], axis=1
    )
    xi = x.astype(jnp.int32)
    idx2 = xi[:, 0::2] * vocab + xi[:, 1::2]
    idx2d = idx2.reshape(n2 // _IDX_W, _IDX_W)
    flat = _sc_lookup(W2, idx2d, n2=n2, dim2=2 * dim)
    return flat.reshape(b0, b1, dim)

# --- scband reference (transcript-rebuilt; emitter-appended) ---
"""Pipeline reference for scband-my-model-61933428409510 (READ-ONLY COPY).

The authoritative reference and input builder live on the scoring server;
editing this copy changes nothing except your own understanding.
"""

import jax, jax.numpy as jnp
import numpy as np

DIM = 64
VOCAB = 20

def setup_inputs(seed: int = 0) -> dict:
    key = jax.random.key(seed)
    k1, k2 = jax.random.split(key)
    x = jax.random.randint(k1, (16384, 200), 0, VOCAB, dtype=jnp.int64 if jax.config.jax_enable_x64 else jnp.int32)
    W = jax.random.normal(k2, (VOCAB, DIM), dtype=jnp.float32)
    return {"x": x, "W": W}

def reference(x, W):
    # nn.Embedding forward: gather rows of the table by index
    return jnp.take(W, x, axis=0)

if __name__ == "__main__":
    import jax
    _d = setup_inputs()
    print(jax.jit(kernel)(*tuple(_d.values())))

</pallas_src>

<mosaic_0001>
#map = affine_map<(d0, d1) -> (0, 0)>
module attributes {stable_mosaic.version = 14 : i64} {
  func.func @body(%arg0: i32, %arg1: i32, %arg2: memref<400x128xf32, #tpu.memory_space<hbm>>, %arg3: memref<12800x128xi32, #tpu.memory_space<hbm>>, %arg4: memref<1638400x128xf32, #tpu.memory_space<hbm>>, %arg5: memref<2x2x128xi32, #tpu.memory_space<vmem>>, %arg6: memref<2x256x128xf32, #tpu.memory_space<vmem>>, %arg7: memref<2x!tpu.dma_semaphore, #tpu.memory_space<semaphore_mem>>, %arg8: memref<2x!tpu.dma_semaphore, #tpu.memory_space<semaphore_mem>>, %arg9: memref<2x!tpu.dma_semaphore, #tpu.memory_space<semaphore_mem>>) attributes {dimension_semantics = [#tpu.dimension_semantics<core_parallel>, #tpu.dimension_semantics<subcore_parallel>], iteration_bounds = array<i64: 2, 16>, scalar_prefetch = 0 : i64, scratch_operands = 5 : i64, tpu.core_type = #tpu.core_type<sc_vector_subcore>, window_params = [{transform_indices = #map}, {transform_indices = #map}, {transform_indices = #map}]} {
    %mul3A = arith.constant 2 : i32
    %mul3A_0 = arith.muli %arg1, %mul3A : i32
    %add3A = arith.addi %mul3A_0, %arg0 : i32
    %mul3A_1 = arith.constant 400 : i32
    %mul3A_2 = arith.muli %add3A, %mul3A_1 : i32
    %add3A_3 = arith.constant 0 : i32
    %add3A_4 = arith.addi %mul3A_2, %add3A_3 : i32
    %dma_start3A = arith.constant 0 : i32
    %dma_start3A_5 = arith.constant 0 : i32
    %dma_start3A_6 = arith.constant 0 : i32
    %dma_start3A_7 = arith.constant 0 : i32
    %dma_start3A_8 = tpu.memref_slice %arg5[%dma_start3A, %dma_start3A_6, %dma_start3A_7] : memref<2x2x128xi32, #tpu.memory_space<vmem>> -> memref<1x2x128xi32, #tpu.memory_space<vmem>>
    %dma_start3A_9 = tpu.memref_squeeze %dma_start3A_8 : memref<1x2x128xi32, #tpu.memory_space<vmem>> -> memref<2x128xi32, #tpu.memory_space<vmem>>
    %dma_start3A_10 = arith.constant 0 : i32
    %dma_start3A_11 = tpu.memref_slice %arg3[%add3A_4, %dma_start3A_10] : memref<12800x128xi32, #tpu.memory_space<hbm>> -> memref<2x128xi32, #tpu.memory_space<hbm>>
    %dma_start3A_12 = tpu.memref_slice %arg7[%dma_start3A_5] : memref<2x!tpu.dma_semaphore, #tpu.memory_space<semaphore_mem>> -> memref<1x!tpu.dma_semaphore, #tpu.memory_space<semaphore_mem>>
    %dma_start3A_13 = tpu.memref_squeeze %dma_start3A_12 : memref<1x!tpu.dma_semaphore, #tpu.memory_space<semaphore_mem>> -> memref<!tpu.dma_semaphore, #tpu.memory_space<semaphore_mem>>
    %dma_start3A_14 = arith.constant 0 : i32
    %dma_start3A_15 = arith.constant 0 : i32
    %dma_start3A_16 = tpu.memref_slice %arg5[%dma_start3A, %dma_start3A_14, %dma_start3A_15] : memref<2x2x128xi32, #tpu.memory_space<vmem>> -> memref<1x2x128xi32, #tpu.memory_space<vmem>>
    %dma_start3A_17 = tpu.memref_squeeze %dma_start3A_16 : memref<1x2x128xi32, #tpu.memory_space<vmem>> -> memref<2x128xi32, #tpu.memory_space<vmem>>
    %dma_start3A_18 = arith.constant 0 : i32
    %dma_start3A_19 = tpu.memref_slice %arg3[%add3A_4, %dma_start3A_18] : memref<12800x128xi32, #tpu.memory_space<hbm>> -> memref<2x128xi32, #tpu.memory_space<hbm>>
    tpu.enqueue_dma source(%dma_start3A_19 : memref<2x128xi32, #tpu.memory_space<hbm>>) target(%dma_start3A_17 : memref<2x128xi32, #tpu.memory_space<vmem>>) target_semaphore(%dma_start3A_13 : memref<!tpu.dma_semaphore, #tpu.memory_space<semaphore_mem>>)
    %add3A_20 = arith.constant 2 : i32
    %add3A_21 = arith.addi %mul3A_2, %add3A_20 : i32
    %dma_start3A_22 = arith.constant 1 : i32
    %dma_start3A_23 = arith.constant 1 : i32
    %dma_start3A_24 = arith.constant 0 : i32
    %dma_start3A_25 = arith.constant 0 : i32
    %dma_start3A_26 = tpu.memref_slice %arg5[%dma_start3A_22, %dma_start3A_24, %dma_start3A_25] : memref<2x2x128xi32, #tpu.memory_space<vmem>> -> memref<1x2x128xi32, #tpu.memory_space<vmem>>
    %dma_start3A_27 = tpu.memref_squeeze %dma_start3A_26 : memref<1x2x128xi32, #tpu.memory_space<vmem>> -> memref<2x128xi32, #tpu.memory_space<vmem>>
    %dma_start3A_28 = arith.constant 0 : i32
    %dma_start3A_29 = tpu.memref_slice %arg3[%add3A_21, %dma_start3A_28] : memref<12800x128xi32, #tpu.memory_space<hbm>> -> memref<2x128xi32, #tpu.memory_space<hbm>>
    %dma_start3A_30 = tpu.memref_slice %arg7[%dma_start3A_23] : memref<2x!tpu.dma_semaphore, #tpu.memory_space<semaphore_mem>> -> memref<1x!tpu.dma_semaphore, #tpu.memory_space<semaphore_mem>>
    %dma_start3A_31 = tpu.memref_squeeze %dma_start3A_30 : memref<1x!tpu.dma_semaphore, #tpu.memory_space<semaphore_mem>> -> memref<!tpu.dma_semaphore, #tpu.memory_space<semaphore_mem>>
    %dma_start3A_32 = arith.constant 0 : i32
    %dma_start3A_33 = arith.constant 0 : i32
    %dma_start3A_34 = tpu.memref_slice %arg5[%dma_start3A_22, %dma_start3A_32, %dma_start3A_33] : memref<2x2x128xi32, #tpu.memory_space<vmem>> -> memref<1x2x128xi32, #tpu.memory_space<vmem>>
    %dma_start3A_35 = tpu.memref_squeeze %dma_start3A_34 : memref<1x2x128xi32, #tpu.memory_space<vmem>> -> memref<2x128xi32, #tpu.memory_space<vmem>>
    %dma_start3A_36 = arith.constant 0 : i32
    %dma_start3A_37 = tpu.memref_slice %arg3[%add3A_21, %dma_start3A_36] : memref<12800x128xi32, #tpu.memory_space<hbm>> -> memref<2x128xi32, #tpu.memory_space<hbm>>
    tpu.enqueue_dma source(%dma_start3A_37 : memref<2x128xi32, #tpu.memory_space<hbm>>) target(%dma_start3A_35 : memref<2x128xi32, #tpu.memory_space<vmem>>) target_semaphore(%dma_start3A_31 : memref<!tpu.dma_semaphore, #tpu.memory_space<semaphore_mem>>)
    %scan3A = arith.constant 0 : i32
    %scan3A_38 = arith.constant 0 : i32
    %scan3A_39 = arith.constant 100 : i32
    %scan3A_40 = arith.addi %scan3A_38, %scan3A_39 : i32
    %scan3A_41 = arith.constant 1 : i32
    scf.for %scan3A_82 = %scan3A_38 to %scan3A_40 step %scan3A_41  : i32 {
      %mul3A_83 = arith.constant 2 : i32
      %mul3A_84 = arith.muli %scan3A_82, %mul3A_83 : i32
      %add3A_85 = arith.constant 0 : i32
      %add3A_86 = arith.addi %mul3A_84, %add3A_85 : i32
      %mul3A_87 = arith.constant 2 : i32
      %mul3A_88 = arith.muli %add3A_86, %mul3A_87 : i32
      %add3A_89 = arith.addi %mul3A_2, %mul3A_88 : i32
      %dma_wait3A_90 = arith.constant 0 : i32
      %dma_wait3A_91 = arith.constant 0 : i32
      %dma_wait3A_92 = arith.constant 0 : i32
      %dma_wait3A_93 = arith.constant 0 : i32
      %dma_wait3A_94 = tpu.memref_slice %arg5[%dma_wait3A_90, %dma_wait3A_92, %dma_wait3A_93] : memref<2x2x128xi32, #tpu.memory_space<vmem>> -> memref<1x2x128xi32, #tpu.memory_space<vmem>>
      %dma_wait3A_95 = tpu.memref_squeeze %dma_wait3A_94 : memref<1x2x128xi32, #tpu.memory_space<vmem>> -> memref<2x128xi32, #tpu.memory_space<vmem>>
      %dma_wait3A_96 = arith.constant 0 : i32
      %dma_wait3A_97 = tpu.memref_slice %arg3[%add3A_89, %dma_wait3A_96] : memref<12800x128xi32, #tpu.memory_space<hbm>> -> memref<2x128xi32, #tpu.memory_space<hbm>>
      %dma_wait3A_98 = tpu.memref_slice %arg7[%dma_wait3A_91] : memref<2x!tpu.dma_semaphore, #tpu.memory_space<semaphore_mem>> -> memref<1x!tpu.dma_semaphore, #tpu.memory_space<semaphore_mem>>
      %dma_wait3A_99 = tpu.memref_squeeze %dma_wait3A_98 : memref<1x!tpu.dma_semaphore, #tpu.memory_space<semaphore_mem>> -> memref<!tpu.dma_semaphore, #tpu.memory_space<semaphore_mem>>
      %dma_wait3A_100 = arith.constant 0 : i32
      %dma_wait3A_101 = arith.constant 0 : i32
      %dma_wait3A_102 = tpu.memref_slice %arg5[%dma_wait3A_90, %dma_wait3A_100, %dma_wait3A_101] : memref<2x2x128xi32, #tpu.memory_space<vmem>> -> memref<1x2x128xi32, #tpu.memory_space<vmem>>
      %dma_wait3A_103 = tpu.memref_squeeze %dma_wait3A_102 : memref<1x2x128xi32, #tpu.memory_space<vmem>> -> memref<2x128xi32, #tpu.memory_space<vmem>>
      %dma_wait3A_104 = arith.constant 0 : i32
      %dma_wait3A_105 = tpu.memref_slice %arg3[%add3A_89, %dma_wait3A_104] : memref<12800x128xi32, #tpu.memory_space<hbm>> -> memref<2x128xi32, #tpu.memory_space<hbm>>
      tpu.wait_dma2 semaphore(%dma_wait3A_99 : memref<!tpu.dma_semaphore, #tpu.memory_space<semaphore_mem>>) src(%dma_wait3A_105 : memref<2x128xi32, #tpu.memory_space<hbm>>) dst(%dma_wait3A_103 : memref<2x128xi32, #tpu.memory_space<vmem>>)
      %gt3A = arith.constant 0 : i32
      %gt3A_106 = arith.cmpi sgt, %mul3A_84, %gt3A : i32
      %convert_element_type3A = arith.extui %gt3A_106 : i1 to i32
      %cond3A = arith.constant 0 : i32
      %cond3A_107 = arith.cmpi ne, %convert_element_type3A, %cond3A : i32
      scf.if %cond3A_107 {
        %mul3A_313 = arith.constant 2 : i32
        %mul3A_314 = arith.muli %add3A_86, %mul3A_313 : i32
        %add3A_315 = arith.addi %mul3A_2, %mul3A_314 : i32
        %mul3A_316 = arith.constant 128 : i32
        %mul3A_317 = arith.muli %add3A_315, %mul3A_316 : i32
        %dma_wait3A_318 = arith.constant 0 : i32
        %dma_wait3A_319 = arith.constant 0 : i32
        %dma_wait3A_320 = arith.constant 0 : i32
        %dma_wait3A_321 = arith.constant 0 : i32
        %dma_wait3A_322 = tpu.memref_slice %arg6[%dma_wait3A_318, %dma_wait3A_320, %dma_wait3A_321] : memref<2x256x128xf32, #tpu.memory_space<vmem>> -> memref<1x256x128xf32, #tpu.memory_space<vmem>>
        %dma_wait3A_323 = tpu.memref_squeeze %dma_wait3A_322 : memref<1x256x128xf32, #tpu.memory_space<vmem>> -> memref<256x128xf32, #tpu.memory_space<vmem>>
        %dma_wait3A_324 = arith.constant 0 : i32
        %dma_wait3A_325 = tpu.memref_slice %arg4[%mul3A_317, %dma_wait3A_324] : memref<1638400x128xf32, #tpu.memory_space<hbm>> -> memref<256x128xf32, #tpu.memory_space<hbm>>
        %dma_wait3A_326 = tpu.memref_slice %arg9[%dma_wait3A_319] : memref<2x!tpu.dma_semaphore, #tpu.memory_space<semaphore_mem>> -> memref<1x!tpu.dma_semaphore, #tpu.memory_space<semaphore_mem>>
        %dma_wait3A_327 = tpu.memref_squeeze %dma_wait3A_326 : memref<1x!tpu.dma_semaphore, #tpu.memory_space<semaphore_mem>> -> memref<!tpu.dma_semaphore, #tpu.memory_space<semaphore_mem>>
        %dma_wait3A_328 = arith.constant 0 : i32
        %dma_wait3A_329 = tpu.memref_slice %arg4[%mul3A_317, %dma_wait3A_328] : memref<1638400x128xf32, #tpu.memory_space<hbm>> -> memref<256x128xf32, #tpu.memory_space<hbm>>
        %dma_wait3A_330 = arith.constant 0 : i32
        %dma_wait3A_331 = arith.constant 0 : i32
        %dma_wait3A_332 = tpu.memref_slice %arg6[%dma_wait3A_318, %dma_wait3A_330, %dma_wait3A_331] : memref<2x256x128xf32, #tpu.memory_space<vmem>> -> memref<1x256x128xf32, #tpu.memory_space<vmem>>
        %dma_wait3A_333 = tpu.memref_squeeze %dma_wait3A_332 : memref<1x256x128xf32, #tpu.memory_space<vmem>> -> memref<256x128xf32, #tpu.memory_space<vmem>>
        tpu.wait_dma2 semaphore(%dma_wait3A_327 : memref<!tpu.dma_semaphore, #tpu.memory_space<semaphore_mem>>) src(%dma_wait3A_333 : memref<256x128xf32, #tpu.memory_space<vmem>>) dst(%dma_wait3A_329 : memref<256x128xf32, #tpu.memory_space<hbm>>)
      } else {
      }
      %dma_start3A_108 = arith.constant 0 : i32
      %dma_start3A_109 = arith.constant 0 : i32
      %dma_start3A_110 = arith.constant 0 : i32
      %dma_start3A_111 = arith.constant 0 : i32
      %dma_start3A_112 = arith.constant 0 : i32
      %dma_start3A_113 = arith.constant 0 : i32
      %dma_start3A_114 = tpu.memref_slice %arg6[%dma_start3A_110, %dma_start3A_112, %dma_start3A_113] : memref<2x256x128xf32, #tpu.memory_space<vmem>> -> memref<1x128x128xf32, #tpu.memory_space<vmem>>
      %dma_start3A_115 = tpu.memref_squeeze %dma_start3A_114 : memref<1x128x128xf32, #tpu.memory_space<vmem>> -> memref<128x128xf32, #tpu.memory_space<vmem>>
      %dma_start3A_116 = arith.constant 0 : i32
      %dma_start3A_117 = tpu.memref_slice %arg5[%dma_start3A_108, %dma_start3A_109, %dma_start3A_116] : memref<2x2x128xi32, #tpu.memory_space<vmem>> -> memref<1x1x128xi32, #tpu.memory_space<vmem>>
      %dma_start3A_118 = tpu.memref_squeeze %dma_start3A_117 : memref<1x1x128xi32, #tpu.memory_space<vmem>> -> memref<128xi32, #tpu.memory_space<vmem>>
      %dma_start3A_119 = arith.constant 0 : i32
      %dma_start3A_120 = arith.constant 0 : i32
      %dma_start3A_121 = tpu.memref_slice %arg2[%dma_start3A_119, %dma_start3A_120] : memref<400x128xf32, #tpu.memory_space<hbm>> -> memref<400x128xf32, #tpu.memory_space<hbm>>
      %dma_start3A_122 = tpu.memref_slice %arg8[%dma_start3A_111] : memref<2x!tpu.dma_semaphore, #tpu.memory_space<semaphore_mem>> -> memref<1x!tpu.dma_semaphore, #tpu.memory_space<semaphore_mem>>
      %dma_start3A_123 = tpu.memref_squeeze %dma_start3A_122 : memref<1x!tpu.dma_semaphore, #tpu.memory_space<semaphore_mem>> -> memref<!tpu.dma_semaphore, #tpu.memory_space<semaphore_mem>>
      tpu.enqueue_indirect_dma source(%dma_start3A_121 : memref<400x128xf32, #tpu.memory_space<hbm>>) target(%dma_start3A_115 : memref<128x128xf32, #tpu.memory_space<vmem>>) offsets(%dma_start3A_118 : memref<128xi32, #tpu.memory_space<vmem>>) semaphore(%dma_start3A_123 : memref<!tpu.dma_semaphore, #tpu.memory_space<semaphore_mem>>)
      %dma_start3A_124 = arith.constant 0 : i32
      %dma_start3A_125 = arith.constant 1 : i32
      %dma_start3A_126 = arith.constant 0 : i32
      %dma_start3A_127 = arith.constant 0 : i32
      %dma_start3A_128 = arith.constant 128 : i32
      %dma_start3A_129 = arith.constant 0 : i32
      %dma_start3A_130 = tpu.memref_slice %arg6[%dma_start3A_126, %dma_start3A_128, %dma_start3A_129] : memref<2x256x128xf32, #tpu.memory_space<vmem>> -> memref<1x128x128xf32, #tpu.memory_space<vmem>>
      %dma_start3A_131 = tpu.memref_squeeze %dma_start3A_130 : memref<1x128x128xf32, #tpu.memory_space<vmem>> -> memref<128x128xf32, #tpu.memory_space<vmem>>
      %dma_start3A_132 = arith.constant 0 : i32
      %dma_start3A_133 = tpu.memref_slice %arg5[%dma_start3A_124, %dma_start3A_125, %dma_start3A_132] : memref<2x2x128xi32, #tpu.memory_space<vmem>> -> memref<1x1x128xi32, #tpu.memory_space<vmem>>
      %dma_start3A_134 = tpu.memref_squeeze %dma_start3A_133 : memref<1x1x128xi32, #tpu.memory_space<vmem>> -> memref<128xi32, #tpu.memory_space<vmem>>
      %dma_start3A_135 = arith.constant 0 : i32
      %dma_start3A_136 = arith.constant 0 : i32
      %dma_start3A_137 = tpu.memref_slice %arg2[%dma_start3A_135, %dma_start3A_136] : memref<400x128xf32, #tpu.memory_space<hbm>> -> memref<400x128xf32, #tpu.memory_space<hbm>>
      %dma_start3A_138 = tpu.memref_slice %arg8[%dma_start3A_127] : memref<2x!tpu.dma_semaphore, #tpu.memory_space<semaphore_mem>> -> memref<1x!tpu.dma_semaphore, #tpu.memory_space<semaphore_mem>>
      %dma_start3A_139 = tpu.memref_squeeze %dma_start3A_138 : memref<1x!tpu.dma_semaphore, #tpu.memory_space<semaphore_mem>> -> memref<!tpu.dma_semaphore, #tpu.memory_space<semaphore_mem>>
      tpu.enqueue_indirect_dma source(%dma_start3A_137 : memref<400x128xf32, #tpu.memory_space<hbm>>) target(%dma_start3A_131 : memref<128x128xf32, #tpu.memory_space<vmem>>) offsets(%dma_start3A_134 : memref<128xi32, #tpu.memory_space<vmem>>) semaphore(%dma_start3A_139 : memref<!tpu.dma_semaphore, #tpu.memory_space<semaphore_mem>>)
      %dma_wait3A_140 = arith.constant 0 : i32
      %dma_wait3A_141 = arith.constant 0 : i32
      %dma_wait3A_142 = arith.constant 0 : i32
      %dma_wait3A_143 = arith.constant 0 : i32
      %dma_wait3A_144 = arith.constant 0 : i32
      %dma_wait3A_145 = arith.constant 0 : i32
      %dma_wait3A_146 = tpu.memref_slice %arg6[%dma_wait3A_142, %dma_wait3A_144, %dma_wait3A_145] : memref<2x256x128xf32, #tpu.memory_space<vmem>> -> memref<1x128x128xf32, #tpu.memory_space<vmem>>
      %dma_wait3A_147 = tpu.memref_squeeze %dma_wait3A_146 : memref<1x128x128xf32, #tpu.memory_space<vmem>> -> memref<128x128xf32, #tpu.memory_space<vmem>>
      %dma_wait3A_148 = arith.constant 0 : i32
      %dma_wait3A_149 = tpu.memref_slice %arg5[%dma_wait3A_140, %dma_wait3A_141, %dma_wait3A_148] : memref<2x2x128xi32, #tpu.memory_space<vmem>> -> memref<1x1x128xi32, #tpu.memory_space<vmem>>
      %dma_wait3A_150 = tpu.memref_squeeze %dma_wait3A_149 : memref<1x1x128xi32, #tpu.memory_space<vmem>> -> memref<128xi32, #tpu.memory_space<vmem>>
      %dma_wait3A_151 = arith.constant 0 : i32
      %dma_wait3A_152 = arith.constant 0 : i32
      %dma_wait3A_153 = tpu.memref_slice %arg2[%dma_wait3A_151, %dma_wait3A_152] : memref<400x128xf32, #tpu.memory_space<hbm>> -> memref<400x128xf32, #tpu.memory_space<hbm>>
      %dma_wait3A_154 = tpu.memref_slice %arg8[%dma_wait3A_143] : memref<2x!tpu.dma_semaphore, #tpu.memory_space<semaphore_mem>> -> memref<1x!tpu.dma_semaphore, #tpu.memory_space<semaphore_mem>>
      %dma_wait3A_155 = tpu.memref_squeeze %dma_wait3A_154 : memref<1x!tpu.dma_semaphore, #tpu.memory_space<semaphore_mem>> -> memref<!tpu.dma_semaphore, #tpu.memory_space<semaphore_mem>>
      tpu.wait_indirect_dma semaphore(%dma_wait3A_155 : memref<!tpu.dma_semaphore, #tpu.memory_space<semaphore_mem>>) src(%dma_wait3A_153 : memref<400x128xf32, #tpu.memory_space<hbm>>) dst(%dma_wait3A_147 : memref<128x128xf32, #tpu.memory_space<vmem>>)
      %dma_wait3A_156 = arith.constant 0 : i32
      %dma_wait3A_157 = arith.constant 1 : i32
      %dma_wait3A_158 = arith.constant 0 : i32
      %dma_wait3A_159 = arith.constant 0 : i32
      %dma_wait3A_160 = arith.constant 128 : i32
      %dma_wait3A_161 = arith.constant 0 : i32
      %dma_wait3A_162 = tpu.memref_slice %arg6[%dma_wait3A_158, %dma_wait3A_160, %dma_wait3A_161] : memref<2x256x128xf32, #tpu.memory_space<vmem>> -> memref<1x128x128xf32, #tpu.memory_space<vmem>>
      %dma_wait3A_163 = tpu.memref_squeeze %dma_wait3A_162 : memref<1x128x128xf32, #tpu.memory_space<vmem>> -> memref<128x128xf32, #tpu.memory_space<vmem>>
      %dma_wait3A_164 = arith.constant 0 : i32
      %dma_wait3A_165 = tpu.memref_slice %arg5[%dma_wait3A_156, %dma_wait3A_157, %dma_wait3A_164] : memref<2x2x128xi32, #tpu.memory_space<vmem>> -> memref<1x1x128xi32, #tpu.memory_space<vmem>>
      %dma_wait3A_166 = tpu.memref_squeeze %dma_wait3A_165 : memref<1x1x128xi32, #tpu.memory_space<vmem>> -> memref<128xi32, #tpu.memory_space<vmem>>
      %dma_wait3A_167 = arith.constant 0 : i32
      %dma_wait3A_168 = arith.constant 0 : i32
      %dma_wait3A_169 = tpu.memref_slice %arg2[%dma_wait3A_167, %dma_wait3A_168] : memref<400x128xf32, #tpu.memory_space<hbm>> -> memref<400x128xf32, #tpu.memory_space<hbm>>
      %dma_wait3A_170 = tpu.memref_slice %arg8[%dma_wait3A_159] : memref<2x!tpu.dma_semaphore, #tpu.memory_space<semaphore_mem>> -> memref<1x!tpu.dma_semaphore, #tpu.memory_space<semaphore_mem>>
      %dma_wait3A_171 = tpu.memref_squeeze %dma_wait3A_170 : memref<1x!tpu.dma_semaphore, #tpu.memory_space<semaphore_mem>> -> memref<!tpu.dma_semaphore, #tpu.memory_space<semaphore_mem>>
      tpu.wait_indirect_dma semaphore(%dma_wait3A_171 : memref<!tpu.dma_semaphore, #tpu.memory_space<semaphore_mem>>) src(%dma_wait3A_169 : memref<400x128xf32, #tpu.memory_space<hbm>>) dst(%dma_wait3A_163 : memref<128x128xf32, #tpu.memory_space<vmem>>)
      %lt3A = arith.constant 198 : i32
      %lt3A_172 = arith.cmpi slt, %mul3A_84, %lt3A : i32
      %convert_element_type3A_173 = arith.extui %lt3A_172 : i1 to i32
      %cond3A_174 = arith.constant 0 : i32
      %cond3A_175 = arith.cmpi ne, %convert_element_type3A_173, %cond3A_174 : i32
      scf.if %cond3A_175 {
        %add3A_313 = arith.constant 2 : i32
        %add3A_314 = arith.addi %add3A_86, %add3A_313 : i32
        %mul3A_315 = arith.constant 2 : i32
        %mul3A_316 = arith.muli %add3A_314, %mul3A_315 : i32
        %add3A_317 = arith.addi %mul3A_2, %mul3A_316 : i32
        %dma_start3A_318 = arith.constant 0 : i32
        %dma_start3A_319 = arith.constant 0 : i32
        %dma_start3A_320 = arith.constant 0 : i32
        %dma_start3A_321 = arith.constant 0 : i32
        %dma_start3A_322 = tpu.memref_slice %arg5[%dma_start3A_318, %dma_start3A_320, %dma_start3A_321] : memref<2x2x128xi32, #tpu.memory_space<vmem>> -> memref<1x2x128xi32, #tpu.memory_space<vmem>>
        %dma_start3A_323 = tpu.memref_squeeze %dma_start3A_322 : memref<1x2x128xi32, #tpu.memory_space<vmem>> -> memref<2x128xi32, #tpu.memory_space<vmem>>
        %dma_start3A_324 = arith.constant 0 : i32
        %dma_start3A_325 = tpu.memref_slice %arg3[%add3A_317, %dma_start3A_324] : memref<12800x128xi32, #tpu.memory_space<hbm>> -> memref<2x128xi32, #tpu.memory_space<hbm>>
        %dma_start3A_326 = tpu.memref_slice %arg7[%dma_start3A_319] : memref<2x!tpu.dma_semaphore, #tpu.memory_space<semaphore_mem>> -> memref<1x!tpu.dma_semaphore, #tpu.memory_space<semaphore_mem>>
        %dma_start3A_327 = tpu.memref_squeeze %dma_start3A_326 : memref<1x!tpu.dma_semaphore, #tpu.memory_space<semaphore_mem>> -> memref<!tpu.dma_semaphore, #tpu.memory_space<semaphore_mem>>
        %dma_start3A_328 = arith.constant 0 : i32
        %dma_start3A_329 = arith.constant 0 : i32
        %dma_start3A_330 = tpu.memref_slice %arg5[%dma_start3A_318, %dma_start3A_328, %dma_start3A_329] : memref<2x2x128xi32, #tpu.memory_space<vmem>> -> memref<1x2x128xi32, #tpu.memory_space<vmem>>
        %dma_start3A_331 = tpu.memref_squeeze %dma_start3A_330 : memref<1x2x128xi32, #tpu.memory_space<vmem>> -> memref<2x128xi32, #tpu.memory_space<vmem>>
        %dma_start3A_332 = arith.constant 0 : i32
        %dma_start3A_333 = tpu.memref_slice %arg3[%add3A_317, %dma_start3A_332] : memref<12800x128xi32, #tpu.memory_space<hbm>> -> memref<2x128xi32, #tpu.memory_space<hbm>>
        tpu.enqueue_dma source(%dma_start3A_333 : memref<2x128xi32, #tpu.memory_space<hbm>>) target(%dma_start3A_331 : memref<2x128xi32, #tpu.memory_space<vmem>>) target_semaphore(%dma_start3A_327 : memref<!tpu.dma_semaphore, #tpu.memory_space<semaphore_mem>>)
      } else {
      }
      %mul3A_176 = arith.constant 2 : i32
      %mul3A_177 = arith.muli %add3A_86, %mul3A_176 : i32
      %add3A_178 = arith.addi %mul3A_2, %mul3A_177 : i32
      %mul3A_179 = arith.constant 128 : i32
      %mul3A_180 = arith.muli %add3A_178, %mul3A_179 : i32
      %dma_start3A_181 = arith.constant 0 : i32
      %dma_start3A_182 = arith.constant 0 : i32
      %dma_start3A_183 = arith.constant 0 : i32
      %dma_start3A_184 = arith.constant 0 : i32
      %dma_start3A_185 = tpu.memref_slice %arg6[%dma_start3A_181, %dma_start3A_183, %dma_start3A_184] : memref<2x256x128xf32, #tpu.memory_space<vmem>> -> memref<1x256x128xf32, #tpu.memory_space<vmem>>
      %dma_start3A_186 = tpu.memref_squeeze %dma_start3A_185 : memref<1x256x128xf32, #tpu.memory_space<vmem>> -> memref<256x128xf32, #tpu.memory_space<vmem>>
      %dma_start3A_187 = arith.constant 0 : i32
      %dma_start3A_188 = tpu.memref_slice %arg4[%mul3A_180, %dma_start3A_187] : memref<1638400x128xf32, #tpu.memory_space<hbm>> -> memref<256x128xf32, #tpu.memory_space<hbm>>
      %dma_start3A_189 = tpu.memref_slice %arg9[%dma_start3A_182] : memref<2x!tpu.dma_semaphore, #tpu.memory_space<semaphore_mem>> -> memref<1x!tpu.dma_semaphore, #tpu.memory_space<semaphore_mem>>
      %dma_start3A_190 = tpu.memref_squeeze %dma_start3A_189 : memref<1x!tpu.dma_semaphore, #tpu.memory_space<semaphore_mem>> -> memref<!tpu.dma_semaphore, #tpu.memory_space<semaphore_mem>>
      %dma_start3A_191 = arith.constant 0 : i32
      %dma_start3A_192 = tpu.memref_slice %arg4[%mul3A_180, %dma_start3A_191] : memref<1638400x128xf32, #tpu.memory_space<hbm>> -> memref<256x128xf32, #tpu.memory_space<hbm>>
      %dma_start3A_193 = arith.constant 0 : i32
      %dma_start3A_194 = arith.constant 0 : i32
      %dma_start3A_195 = tpu.memref_slice %arg6[%dma_start3A_181, %dma_start3A_193, %dma_start3A_194] : memref<2x256x128xf32, #tpu.memory_space<vmem>> -> memref<1x256x128xf32, #tpu.memory_space<vmem>>
      %dma_start3A_196 = tpu.memref_squeeze %dma_start3A_195 : memref<1x256x128xf32, #tpu.memory_space<vmem>> -> memref<256x128xf32, #tpu.memory_space<vmem>>
      tpu.enqueue_dma source(%dma_start3A_196 : memref<256x128xf32, #tpu.memory_space<vmem>>) target(%dma_start3A_192 : memref<256x128xf32, #tpu.memory_space<hbm>>) target_semaphore(%dma_start3A_190 : memref<!tpu.dma_semaphore, #tpu.memory_space<semaphore_mem>>)
      %add3A_197 = arith.constant 1 : i32
      %add3A_198 = arith.addi %mul3A_84, %add3A_197 : i32
      %mul3A_199 = arith.constant 2 : i32
      %mul3A_200 = arith.muli %add3A_198, %mul3A_199 : i32
      %add3A_201 = arith.addi %mul3A_2, %mul3A_200 : i32
      %dma_wait3A_202 = arith.constant 1 : i32
      %dma_wait3A_203 = arith.constant 1 : i32
      %dma_wait3A_204 = arith.constant 0 : i32
      %dma_wait3A_205 = arith.constant 0 : i32
      %dma_wait3A_206 = tpu.memref_slice %arg5[%dma_wait3A_202, %dma_wait3A_204, %dma_wait3A_205] : memref<2x2x128xi32, #tpu.memory_space<vmem>> -> memref<1x2x128xi32, #tpu.memory_space<vmem>>
      %dma_wait3A_207 = tpu.memref_squeeze %dma_wait3A_206 : memref<1x2x128xi32, #tpu.memory_space<vmem>> -> memref<2x128xi32, #tpu.memory_space<vmem>>
      %dma_wait3A_208 = arith.constant 0 : i32
      %dma_wait3A_209 = tpu.memref_slice %arg3[%add3A_201, %dma_wait3A_208] : memref<12800x128xi32, #tpu.memory_space<hbm>> -> memref<2x128xi32, #tpu.memory_space<hbm>>
      %dma_wait3A_210 = tpu.memref_slice %arg7[%dma_wait3A_203] : memref<2x!tpu.dma_semaphore, #tpu.memory_space<semaphore_mem>> -> memref<1x!tpu.dma_semaphore, #tpu.memory_space<semaphore_mem>>
      %dma_wait3A_211 = tpu.memref_squeeze %dma_wait3A_210 : memref<1x!tpu.dma_semaphore, #tpu.memory_space<semaphore_mem>> -> memref<!tpu.dma_semaphore, #tpu.memory_space<semaphore_mem>>
      %dma_wait3A_212 = arith.constant 0 : i32
      %dma_wait3A_213 = arith.constant 0 : i32
      %dma_wait3A_214 = tpu.memref_slice %arg5[%dma_wait3A_202, %dma_wait3A_212, %dma_wait3A_213] : memref<2x2x128xi32, #tpu.memory_space<vmem>> -> memref<1x2x128xi32, #tpu.memory_space<vmem>>
      %dma_wait3A_215 = tpu.memref_squeeze %dma_wait3A_214 : memref<1x2x128xi32, #tpu.memory_space<vmem>> -> memref<2x128xi32, #tpu.memory_space<vmem>>
      %dma_wait3A_216 = arith.constant 0 : i32
      %dma_wait3A_217 = tpu.memref_slice %arg3[%add3A_201, %dma_wait3A_216] : memref<12800x128xi32, #tpu.memory_space<hbm>> -> memref<2x128xi32, #tpu.memory_space<hbm>>
      tpu.wait_dma2 semaphore(%dma_wait3A_211 : memref<!tpu.dma_semaphore, #tpu.memory_space<semaphore_mem>>) src(%dma_wait3A_217 : memref<2x128xi32, #tpu.memory_space<hbm>>) dst(%dma_wait3A_215 : memref<2x128xi32, #tpu.memory_space<vmem>>)
      %gt3A_218 = arith.constant 0 : i32
      %gt3A_219 = arith.cmpi sgt, %mul3A_84, %gt3A_218 : i32
      %convert_element_type3A_220 = arith.extui %gt3A_219 : i1 to i32
      %cond3A_221 = arith.constant 0 : i32
      %cond3A_222 = arith.cmpi ne, %convert_element_type3A_220, %cond3A_221 : i32
      scf.if %cond3A_222 {
        %mul3A_313 = arith.constant 2 : i32
        %mul3A_314 = arith.muli %add3A_198, %mul3A_313 : i32
        %add3A_315 = arith.addi %mul3A_2, %mul3A_314 : i32
        %mul3A_316 = arith.constant 128 : i32
        %mul3A_317 = arith.muli %add3A_315, %mul3A_316 : i32
        %dma_wait3A_318 = arith.constant 1 : i32
        %dma_wait3A_319 = arith.constant 1 : i32
        %dma_wait3A_320 = arith.constant 0 : i32
        %dma_wait3A_321 = arith.constant 0 : i32
        %dma_wait3A_322 = tpu.memref_slice %arg6[%dma_wait3A_318, %dma_wait3A_320, %dma_wait3A_321] : memref<2x256x128xf32, #tpu.memory_space<vmem>> -> memref<1x256x128xf32, #tpu.memory_space<vmem>>
        %dma_wait3A_323 = tpu.memref_squeeze %dma_wait3A_322 : memref<1x256x128xf32, #tpu.memory_space<vmem>> -> memref<256x128xf32, #tpu.memory_space<vmem>>
        %dma_wait3A_324 = arith.constant 0 : i32
        %dma_wait3A_325 = tpu.memref_slice %arg4[%mul3A_317, %dma_wait3A_324] : memref<1638400x128xf32, #tpu.memory_space<hbm>> -> memref<256x128xf32, #tpu.memory_space<hbm>>
        %dma_wait3A_326 = tpu.memref_slice %arg9[%dma_wait3A_319] : memref<2x!tpu.dma_semaphore, #tpu.memory_space<semaphore_mem>> -> memref<1x!tpu.dma_semaphore, #tpu.memory_space<semaphore_mem>>
        %dma_wait3A_327 = tpu.memref_squeeze %dma_wait3A_326 : memref<1x!tpu.dma_semaphore, #tpu.memory_space<semaphore_mem>> -> memref<!tpu.dma_semaphore, #tpu.memory_space<semaphore_mem>>
        %dma_wait3A_328 = arith.constant 0 : i32
        %dma_wait3A_329 = tpu.memref_slice %arg4[%mul3A_317, %dma_wait3A_328] : memref<1638400x128xf32, #tpu.memory_space<hbm>> -> memref<256x128xf32, #tpu.memory_space<hbm>>
        %dma_wait3A_330 = arith.constant 0 : i32
        %dma_wait3A_331 = arith.constant 0 : i32
        %dma_wait3A_332 = tpu.memref_slice %arg6[%dma_wait3A_318, %dma_wait3A_330, %dma_wait3A_331] : memref<2x256x128xf32, #tpu.memory_space<vmem>> -> memref<1x256x128xf32, #tpu.memory_space<vmem>>
        %dma_wait3A_333 = tpu.memref_squeeze %dma_wait3A_332 : memref<1x256x128xf32, #tpu.memory_space<vmem>> -> memref<256x128xf32, #tpu.memory_space<vmem>>
        tpu.wait_dma2 semaphore(%dma_wait3A_327 : memref<!tpu.dma_semaphore, #tpu.memory_space<semaphore_mem>>) src(%dma_wait3A_333 : memref<256x128xf32, #tpu.memory_space<vmem>>) dst(%dma_wait3A_329 : memref<256x128xf32, #tpu.memory_space<hbm>>)
      } else {
      }
      %dma_start3A_223 = arith.constant 1 : i32
      %dma_start3A_224 = arith.constant 0 : i32
      %dma_start3A_225 = arith.constant 1 : i32
      %dma_start3A_226 = arith.constant 1 : i32
      %dma_start3A_227 = arith.constant 0 : i32
      %dma_start3A_228 = arith.constant 0 : i32
      %dma_start3A_229 = tpu.memref_slice %arg6[%dma_start3A_225, %dma_start3A_227, %dma_start3A_228] : memref<2x256x128xf32, #tpu.memory_space<vmem>> -> memref<1x128x128xf32, #tpu.memory_space<vmem>>
      %dma_start3A_230 = tpu.memref_squeeze %dma_start3A_229 : memref<1x128x128xf32, #tpu.memory_space<vmem>> -> memref<128x128xf32, #tpu.memory_space<vmem>>
      %dma_start3A_231 = arith.constant 0 : i32
      %dma_start3A_232 = tpu.memref_slice %arg5[%dma_start3A_223, %dma_start3A_224, %dma_start3A_231] : memref<2x2x128xi32, #tpu.memory_space<vmem>> -> memref<1x1x128xi32, #tpu.memory_space<vmem>>
      %dma_start3A_233 = tpu.memref_squeeze %dma_start3A_232 : memref<1x1x128xi32, #tpu.memory_space<vmem>> -> memref<128xi32, #tpu.memory_space<vmem>>
      %dma_start3A_234 = arith.constant 0 : i32
      %dma_start3A_235 = arith.constant 0 : i32
      %dma_start3A_236 = tpu.memref_slice %arg2[%dma_start3A_234, %dma_start3A_235] : memref<400x128xf32, #tpu.memory_space<hbm>> -> memref<400x128xf32, #tpu.memory_space<hbm>>
      %dma_start3A_237 = tpu.memref_slice %arg8[%dma_start3A_226] : memref<2x!tpu.dma_semaphore, #tpu.memory_space<semaphore_mem>> -> memref<1x!tpu.dma_semaphore, #tpu.memory_space<semaphore_mem>>
      %dma_start3A_238 = tpu.memref_squeeze %dma_start3A_237 : memref<1x!tpu.dma_semaphore, #tpu.memory_space<semaphore_mem>> -> memref<!tpu.dma_semaphore, #tpu.memory_space<semaphore_mem>>
      tpu.enqueue_indirect_dma source(%dma_start3A_236 : memref<400x128xf32, #tpu.memory_space<hbm>>) target(%dma_start3A_230 : memref<128x128xf32, #tpu.memory_space<vmem>>) offsets(%dma_start3A_233 : memref<128xi32, #tpu.memory_space<vmem>>) semaphore(%dma_start3A_238 : memref<!tpu.dma_semaphore, #tpu.memory_space<semaphore_mem>>)
      %dma_start3A_239 = arith.constant 1 : i32
      %dma_start3A_240 = arith.constant 1 : i32
      %dma_start3A_241 = arith.constant 1 : i32
      %dma_start3A_242 = arith.constant 1 : i32
      %dma_start3A_243 = arith.constant 128 : i32
      %dma_start3A_244 = arith.constant 0 : i32
      %dma_start3A_245 = tpu.memref_slice %arg6[%dma_start3A_241, %dma_start3A_243, %dma_start3A_244] : memref<2x256x128xf32, #tpu.memory_space<vmem>> -> memref<1x128x128xf32, #tpu.memory_space<vmem>>
      %dma_start3A_246 = tpu.memref_squeeze %dma_start3A_245 : memref<1x128x128xf32, #tpu.memory_space<vmem>> -> memref<128x128xf32, #tpu.memory_space<vmem>>
      %dma_start3A_247 = arith.constant 0 : i32
      %dma_start3A_248 = tpu.memref_slice %arg5[%dma_start3A_239, %dma_start3A_240, %dma_start3A_247] : memref<2x2x128xi32, #tpu.memory_space<vmem>> -> memref<1x1x128xi32, #tpu.memory_space<vmem>>
      %dma_start3A_249 = tpu.memref_squeeze %dma_start3A_248 : memref<1x1x128xi32, #tpu.memory_space<vmem>> -> memref<128xi32, #tpu.memory_space<vmem>>
      %dma_start3A_250 = arith.constant 0 : i32
      %dma_start3A_251 = arith.constant 0 : i32
      %dma_start3A_252 = tpu.memref_slice %arg2[%dma_start3A_250, %dma_start3A_251] : memref<400x128xf32, #tpu.memory_space<hbm>> -> memref<400x128xf32, #tpu.memory_space<hbm>>
      %dma_start3A_253 = tpu.memref_slice %arg8[%dma_start3A_242] : memref<2x!tpu.dma_semaphore, #tpu.memory_space<semaphore_mem>> -> memref<1x!tpu.dma_semaphore, #tpu.memory_space<semaphore_mem>>
      %dma_start3A_254 = tpu.memref_squeeze %dma_start3A_253 : memref<1x!tpu.dma_semaphore, #tpu.memory_space<semaphore_mem>> -> memref<!tpu.dma_semaphore, #tpu.memory_space<semaphore_mem>>
      tpu.enqueue_indirect_dma source(%dma_start3A_252 : memref<400x128xf32, #tpu.memory_space<hbm>>) target(%dma_start3A_246 : memref<128x128xf32, #tpu.memory_space<vmem>>) offsets(%dma_start3A_249 : memref<128xi32, #tpu.memory_space<vmem>>) semaphore(%dma_start3A_254 : memref<!tpu.dma_semaphore, #tpu.memory_space<semaphore_mem>>)
      %dma_wait3A_255 = arith.constant 1 : i32
      %dma_wait3A_256 = arith.constant 0 : i32
      %dma_wait3A_257 = arith.constant 1 : i32
      %dma_wait3A_258 = arith.constant 1 : i32
      %dma_wait3A_259 = arith.constant 0 : i32
      %dma_wait3A_260 = arith.constant 0 : i32
      %dma_wait3A_261 = tpu.memref_slice %arg6[%dma_wait3A_257, %dma_wait3A_259, %dma_wait3A_260] : memref<2x256x128xf32, #tpu.memory_space<vmem>> -> memref<1x128x128xf32, #tpu.memory_space<vmem>>
      %dma_wait3A_262 = tpu.memref_squeeze %dma_wait3A_261 : memref<1x128x128xf32, #tpu.memory_space<vmem>> -> memref<128x128xf32, #tpu.memory_space<vmem>>
      %dma_wait3A_263 = arith.constant 0 : i32
      %dma_wait3A_264 = tpu.memref_slice %arg5[%dma_wait3A_255, %dma_wait3A_256, %dma_wait3A_263] : memref<2x2x128xi32, #tpu.memory_space<vmem>> -> memref<1x1x128xi32, #tpu.memory_space<vmem>>
      %dma_wait3A_265 = tpu.memref_squeeze %dma_wait3A_264 : memref<1x1x128xi32, #tpu.memory_space<vmem>> -> memref<128xi32, #tpu.memory_space<vmem>>
      %dma_wait3A_266 = arith.constant 0 : i32
      %dma_wait3A_267 = arith.constant 0 : i32
      %dma_wait3A_268 = tpu.memref_slice %arg2[%dma_wait3A_266, %dma_wait3A_267] : memref<400x128xf32, #tpu.memory_space<hbm>> -> memref<400x128xf32, #tpu.memory_space<hbm>>
      %dma_wait3A_269 = tpu.memref_slice %arg8[%dma_wait3A_258] : memref<2x!tpu.dma_semaphore, #tpu.memory_space<semaphore_mem>> -> memref<1x!tpu.dma_semaphore, #tpu.memory_space<semaphore_mem>>
      %dma_wait3A_270 = tpu.memref_squeeze %dma_wait3A_269 : memref<1x!tpu.dma_semaphore, #tpu.memory_space<semaphore_mem>> -> memref<!tpu.dma_semaphore, #tpu.memory_space<semaphore_mem>>
      tpu.wait_indirect_dma semaphore(%dma_wait3A_270 : memref<!tpu.dma_semaphore, #tpu.memory_space<semaphore_mem>>) src(%dma_wait3A_268 : memref<400x128xf32, #tpu.memory_space<hbm>>) dst(%dma_wait3A_262 : memref<128x128xf32, #tpu.memory_space<vmem>>)
      %dma_wait3A_271 = arith.constant 1 : i32
      %dma_wait3A_272 = arith.constant 1 : i32
      %dma_wait3A_273 = arith.constant 1 : i32
      %dma_wait3A_274 = arith.constant 1 : i32
      %dma_wait3A_275 = arith.constant 128 : i32
      %dma_wait3A_276 = arith.constant 0 : i32
      %dma_wait3A_277 = tpu.memref_slice %arg6[%dma_wait3A_273, %dma_wait3A_275, %dma_wait3A_276] : memref<2x256x128xf32, #tpu.memory_space<vmem>> -> memref<1x128x128xf32, #tpu.memory_space<vmem>>
      %dma_wait3A_278 = tpu.memref_squeeze %dma_wait3A_277 : memref<1x128x128xf32, #tpu.memory_space<vmem>> -> memref<128x128xf32, #tpu.memory_space<vmem>>
      %dma_wait3A_279 = arith.constant 0 : i32
      %dma_wait3A_280 = tpu.memref_slice %arg5[%dma_wait3A_271, %dma_wait3A_272, %dma_wait3A_279] : memref<2x2x128xi32, #tpu.memory_space<vmem>> -> memref<1x1x128xi32, #tpu.memory_space<vmem>>
      %dma_wait3A_281 = tpu.memref_squeeze %dma_wait3A_280 : memref<1x1x128xi32, #tpu.memory_space<vmem>> -> memref<128xi32, #tpu.memory_space<vmem>>
      %dma_wait3A_282 = arith.constant 0 : i32
      %dma_wait3A_283 = arith.constant 0 : i32
      %dma_wait3A_284 = tpu.memref_slice %arg2[%dma_wait3A_282, %dma_wait3A_283] : memref<400x128xf32, #tpu.memory_space<hbm>> -> memref<400x128xf32, #tpu.memory_space<hbm>>
      %dma_wait3A_285 = tpu.memref_slice %arg8[%dma_wait3A_274] : memref<2x!tpu.dma_semaphore, #tpu.memory_space<semaphore_mem>> -> memref<1x!tpu.dma_semaphore, #tpu.memory_space<semaphore_mem>>
      %dma_wait3A_286 = tpu.memref_squeeze %dma_wait3A_285 : memref<1x!tpu.dma_semaphore, #tpu.memory_space<semaphore_mem>> -> memref<!tpu.dma_semaphore, #tpu.memory_space<semaphore_mem>>
      tpu.wait_indirect_dma semaphore(%dma_wait3A_286 : memref<!tpu.dma_semaphore, #tpu.memory_space<semaphore_mem>>) src(%dma_wait3A_284 : memref<400x128xf32, #tpu.memory_space<hbm>>) dst(%dma_wait3A_278 : memref<128x128xf32, #tpu.memory_space<vmem>>)
      %lt3A_287 = arith.constant 198 : i32
      %lt3A_288 = arith.cmpi slt, %mul3A_84, %lt3A_287 : i32
      %convert_element_type3A_289 = arith.extui %lt3A_288 : i1 to i32
      %cond3A_290 = arith.constant 0 : i32
      %cond3A_291 = arith.cmpi ne, %convert_element_type3A_289, %cond3A_290 : i32
      scf.if %cond3A_291 {
        %add3A_313 = arith.constant 2 : i32
        %add3A_314 = arith.addi %add3A_198, %add3A_313 : i32
        %mul3A_315 = arith.constant 2 : i32
        %mul3A_316 = arith.muli %add3A_314, %mul3A_315 : i32
        %add3A_317 = arith.addi %mul3A_2, %mul3A_316 : i32
        %dma_start3A_318 = arith.constant 1 : i32
        %dma_start3A_319 = arith.constant 1 : i32
        %dma_start3A_320 = arith.constant 0 : i32
        %dma_start3A_321 = arith.constant 0 : i32
        %dma_start3A_322 = tpu.memref_slice %arg5[%dma_start3A_318, %dma_start3A_320, %dma_start3A_321] : memref<2x2x128xi32, #tpu.memory_space<vmem>> -> memref<1x2x128xi32, #tpu.memory_space<vmem>>
        %dma_start3A_323 = tpu.memref_squeeze %dma_start3A_322 : memref<1x2x128xi32, #tpu.memory_space<vmem>> -> memref<2x128xi32, #tpu.memory_space<vmem>>
        %dma_start3A_324 = arith.constant 0 : i32
        %dma_start3A_325 = tpu.memref_slice %arg3[%add3A_317, %dma_start3A_324] : memref<12800x128xi32, #tpu.memory_space<hbm>> -> memref<2x128xi32, #tpu.memory_space<hbm>>
        %dma_start3A_326 = tpu.memref_slice %arg7[%dma_start3A_319] : memref<2x!tpu.dma_semaphore, #tpu.memory_space<semaphore_mem>> -> memref<1x!tpu.dma_semaphore, #tpu.memory_space<semaphore_mem>>
        %dma_start3A_327 = tpu.memref_squeeze %dma_start3A_326 : memref<1x!tpu.dma_semaphore, #tpu.memory_space<semaphore_mem>> -> memref<!tpu.dma_semaphore, #tpu.memory_space<semaphore_mem>>
        %dma_start3A_328 = arith.constant 0 : i32
        %dma_start3A_329 = arith.constant 0 : i32
        %dma_start3A_330 = tpu.memref_slice %arg5[%dma_start3A_318, %dma_start3A_328, %dma_start3A_329] : memref<2x2x128xi32, #tpu.memory_space<vmem>> -> memref<1x2x128xi32, #tpu.memory_space<vmem>>
        %dma_start3A_331 = tpu.memref_squeeze %dma_start3A_330 : memref<1x2x128xi32, #tpu.memory_space<vmem>> -> memref<2x128xi32, #tpu.memory_space<vmem>>
        %dma_start3A_332 = arith.constant 0 : i32
        %dma_start3A_333 = tpu.memref_slice %arg3[%add3A_317, %dma_start3A_332] : memref<12800x128xi32, #tpu.memory_space<hbm>> -> memref<2x128xi32, #tpu.memory_space<hbm>>
        tpu.enqueue_dma source(%dma_start3A_333 : memref<2x128xi32, #tpu.memory_space<hbm>>) target(%dma_start3A_331 : memref<2x128xi32, #tpu.memory_space<vmem>>) target_semaphore(%dma_start3A_327 : memref<!tpu.dma_semaphore, #tpu.memory_space<semaphore_mem>>)
      } else {
      }
      %mul3A_292 = arith.constant 2 : i32
      %mul3A_293 = arith.muli %add3A_198, %mul3A_292 : i32
      %add3A_294 = arith.addi %mul3A_2, %mul3A_293 : i32
      %mul3A_295 = arith.constant 128 : i32
      %mul3A_296 = arith.muli %add3A_294, %mul3A_295 : i32
      %dma_start3A_297 = arith.constant 1 : i32
      %dma_start3A_298 = arith.constant 1 : i32
      %dma_start3A_299 = arith.constant 0 : i32
      %dma_start3A_300 = arith.constant 0 : i32
      %dma_start3A_301 = tpu.memref_slice %arg6[%dma_start3A_297, %dma_start3A_299, %dma_start3A_300] : memref<2x256x128xf32, #tpu.memory_space<vmem>> -> memref<1x256x128xf32, #tpu.memory_space<vmem>>
      %dma_start3A_302 = tpu.memref_squeeze %dma_start3A_301 : memref<1x256x128xf32, #tpu.memory_space<vmem>> -> memref<256x128xf32, #tpu.memory_space<vmem>>
      %dma_start3A_303 = arith.constant 0 : i32
      %dma_start3A_304 = tpu.memref_slice %arg4[%mul3A_296, %dma_start3A_303] : memref<1638400x128xf32, #tpu.memory_space<hbm>> -> memref<256x128xf32, #tpu.memory_space<hbm>>
      %dma_start3A_305 = tpu.memref_slice %arg9[%dma_start3A_298] : memref<2x!tpu.dma_semaphore, #tpu.memory_space<semaphore_mem>> -> memref<1x!tpu.dma_semaphore, #tpu.memory_space<semaphore_mem>>
      %dma_start3A_306 = tpu.memref_squeeze %dma_start3A_305 : memref<1x!tpu.dma_semaphore, #tpu.memory_space<semaphore_mem>> -> memref<!tpu.dma_semaphore, #tpu.memory_space<semaphore_mem>>
      %dma_start3A_307 = arith.constant 0 : i32
      %dma_start3A_308 = tpu.memref_slice %arg4[%mul3A_296, %dma_start3A_307] : memref<1638400x128xf32, #tpu.memory_space<hbm>> -> memref<256x128xf32, #tpu.memory_space<hbm>>
      %dma_start3A_309 = arith.constant 0 : i32
      %dma_start3A_310 = arith.constant 0 : i32
      %dma_start3A_311 = tpu.memref_slice %arg6[%dma_start3A_297, %dma_start3A_309, %dma_start3A_310] : memref<2x256x128xf32, #tpu.memory_space<vmem>> -> memref<1x256x128xf32, #tpu.memory_space<vmem>>
      %dma_start3A_312 = tpu.memref_squeeze %dma_start3A_311 : memref<1x256x128xf32, #tpu.memory_space<vmem>> -> memref<256x128xf32, #tpu.memory_space<vmem>>
      tpu.enqueue_dma source(%dma_start3A_312 : memref<256x128xf32, #tpu.memory_space<vmem>>) target(%dma_start3A_308 : memref<256x128xf32, #tpu.memory_space<hbm>>) target_semaphore(%dma_start3A_306 : memref<!tpu.dma_semaphore, #tpu.memory_space<semaphore_mem>>)
    }
    %scan3A_42 = arith.constant 100 : i32
    %add3A_43 = arith.constant 396 : i32
    %add3A_44 = arith.addi %mul3A_2, %add3A_43 : i32
    %mul3A_45 = arith.constant 128 : i32
    %mul3A_46 = arith.muli %add3A_44, %mul3A_45 : i32
    %dma_wait3A = arith.constant 0 : i32
    %dma_wait3A_47 = arith.constant 0 : i32
    %dma_wait3A_48 = arith.constant 0 : i32
    %dma_wait3A_49 = arith.constant 0 : i32
    %dma_wait3A_50 = tpu.memref_slice %arg6[%dma_wait3A, %dma_wait3A_48, %dma_wait3A_49] : memref<2x256x128xf32, #tpu.memory_space<vmem>> -> memref<1x256x128xf32, #tpu.memory_space<vmem>>
    %dma_wait3A_51 = tpu.memref_squeeze %dma_wait3A_50 : memref<1x256x128xf32, #tpu.memory_space<vmem>> -> memref<256x128xf32, #tpu.memory_space<vmem>>
    %dma_wait3A_52 = arith.constant 0 : i32
    %dma_wait3A_53 = tpu.memref_slice %arg4[%mul3A_46, %dma_wait3A_52] : memref<1638400x128xf32, #tpu.memory_space<hbm>> -> memref<256x128xf32, #tpu.memory_space<hbm>>
    %dma_wait3A_54 = tpu.memref_slice %arg9[%dma_wait3A_47] : memref<2x!tpu.dma_semaphore, #tpu.memory_space<semaphore_mem>> -> memref<1x!tpu.dma_semaphore, #tpu.memory_space<semaphore_mem>>
    %dma_wait3A_55 = tpu.memref_squeeze %dma_wait3A_54 : memref<1x!tpu.dma_semaphore, #tpu.memory_space<semaphore_mem>> -> memref<!tpu.dma_semaphore, #tpu.memory_space<semaphore_mem>>
    %dma_wait3A_56 = arith.constant 0 : i32
    %dma_wait3A_57 = tpu.memref_slice %arg4[%mul3A_46, %dma_wait3A_56] : memref<1638400x128xf32, #tpu.memory_space<hbm>> -> memref<256x128xf32, #tpu.memory_space<hbm>>
    %dma_wait3A_58 = arith.constant 0 : i32
    %dma_wait3A_59 = arith.constant 0 : i32
    %dma_wait3A_60 = tpu.memref_slice %arg6[%dma_wait3A, %dma_wait3A_58, %dma_wait3A_59] : memref<2x256x128xf32, #tpu.memory_space<vmem>> -> memref<1x256x128xf32, #tpu.memory_space<vmem>>
    %dma_wait3A_61 = tpu.memref_squeeze %dma_wait3A_60 : memref<1x256x128xf32, #tpu.memory_space<vmem>> -> memref<256x128xf32, #tpu.memory_space<vmem>>
    tpu.wait_dma2 semaphore(%dma_wait3A_55 : memref<!tpu.dma_semaphore, #tpu.memory_space<semaphore_mem>>) src(%dma_wait3A_61 : memref<256x128xf32, #tpu.memory_space<vmem>>) dst(%dma_wait3A_57 : memref<256x128xf32, #tpu.memory_space<hbm>>)
    %add3A_62 = arith.constant 398 : i32
    %add3A_63 = arith.addi %mul3A_2, %add3A_62 : i32
    %mul3A_64 = arith.constant 128 : i32
    %mul3A_65 = arith.muli %add3A_63, %mul3A_64 : i32
    %dma_wait3A_66 = arith.constant 1 : i32
    %dma_wait3A_67 = arith.constant 1 : i32
    %dma_wait3A_68 = arith.constant 0 : i32
    %dma_wait3A_69 = arith.constant 0 : i32
    %dma_wait3A_70 = tpu.memref_slice %arg6[%dma_wait3A_66, %dma_wait3A_68, %dma_wait3A_69] : memref<2x256x128xf32, #tpu.memory_space<vmem>> -> memref<1x256x128xf32, #tpu.memory_space<vmem>>
    %dma_wait3A_71 = tpu.memref_squeeze %dma_wait3A_70 : memref<1x256x128xf32, #tpu.memory_space<vmem>> -> memref<256x128xf32, #tpu.memory_space<vmem>>
    %dma_wait3A_72 = arith.constant 0 : i32
    %dma_wait3A_73 = tpu.memref_slice %arg4[%mul3A_65, %dma_wait3A_72] : memref<1638400x128xf32, #tpu.memory_space<hbm>> -> memref<256x128xf32, #tpu.memory_space<hbm>>
    %dma_wait3A_74 = tpu.memref_slice %arg9[%dma_wait3A_67] : memref<2x!tpu.dma_semaphore, #tpu.memory_space<semaphore_mem>> -> memref<1x!tpu.dma_semaphore, #tpu.memory_space<semaphore_mem>>
    %dma_wait3A_75 = tpu.memref_squeeze %dma_wait3A_74 : memref<1x!tpu.dma_semaphore, #tpu.memory_space<semaphore_mem>> -> memref<!tpu.dma_semaphore, #tpu.memory_space<semaphore_mem>>
    %dma_wait3A_76 = arith.constant 0 : i32
    %dma_wait3A_77 = tpu.memref_slice %arg4[%mul3A_65, %dma_wait3A_76] : memref<1638400x128xf32, #tpu.memory_space<hbm>> -> memref<256x128xf32, #tpu.memory_space<hbm>>
    %dma_wait3A_78 = arith.constant 0 : i32
    %dma_wait3A_79 = arith.constant 0 : i32
    %dma_wait3A_80 = tpu.memref_slice %arg6[%dma_wait3A_66, %dma_wait3A_78, %dma_wait3A_79] : memref<2x256x128xf32, #tpu.memory_space<vmem>> -> memref<1x256x128xf32, #tpu.memory_space<vmem>>
    %dma_wait3A_81 = tpu.memref_squeeze %dma_wait3A_80 : memref<1x256x128xf32, #tpu.memory_space<vmem>> -> memref<256x128xf32, #tpu.memory_space<vmem>>
    tpu.wait_dma2 semaphore(%dma_wait3A_75 : memref<!tpu.dma_semaphore, #tpu.memory_space<semaphore_mem>>) src(%dma_wait3A_81 : memref<256x128xf32, #tpu.memory_space<vmem>>) dst(%dma_wait3A_77 : memref<256x128xf32, #tpu.memory_space<hbm>>)
    return
  }
}

</mosaic_0001>

<sc_bundles>
// kernel: _sc_lookup.3.cloned.1.call-start
scs
__scs_entry_jumppad:
0x0: {  	(pc) =	sbr.rel $0x88, $3  }
0x1: {  	(tag) =	ssettag $0x0;
	lr =	simm.s32 $0x1  }
0x2: {  	[smem:$0x3F9F] =	sst lr;
	_ =	strace $0xD0000000  }
0x3: {  	_ = 	snop  }
0x4: {  	_ = 	snop  }
0x5: {  	_ = 	snop  }
0x6: {  	_ = 	snop  }
0x7: {  	_ = 	snop  }
__scs_overlays_trampoline_lowered:
0x8: {  	[smem:$0x3FAE] =	sst s0  }
0x9: {  	[smem:$0x3FAF] =	sst s1  }
0xa: {  	[smem:$0x3FB0] =	sst s2  }
0xb: {  	[smem:$0x3FB1] =	sst s3  }
0xc: {  	[smem:$0x3FB2] =	sst s4  }
0xd: {  	[smem:$0x3FB3] =	sst s5  }
0xe: {  	[smem:$0x3FB4] =	sst s6  }
0xf: {  	[smem:$0x3FB5] =	sst s7  }
0x10: {  	[smem:$0x3FB6] =	sst s8  }
0x11: {  	[smem:$0x3FB7] =	sst s9;
	s0 =	simm.s32 @!p0 $0x0  }
0x12: {  	s1 =	sld [smem:$0x3F9D];
	s0 =	simm.s32 @p0 $0x1  }
0x13: {  	[smem:$0x3FB8] =	sst s0;
	s0 =	simm.s32 @!p1 $0x0  }
0x14: {  	s2 =	sld [smem:$0x3F9C];
	s0 =	simm.s32 @p1 $0x1  }
0x15: {  	[smem:$0x3FB9] =	sst s0;
	s0 =	simm.s32 @!p2 $0x0  }
0x16: {  	s3 =	sld [smem:$0x3FDB];
	s0 =	simm.s32 @p2 $0x1  }
0x17: {  	s4 =	simm.s32 $0x1BF5;
	[smem:$0x3FBB] =	sst s0  }
0x18: {  	s0 =	sld [smem:$0x3F9E];
	_ =	swait.ge [sflag:s4], $0x0  }
0x19: {  	s7 =	sld [smem:$0x3F9F]  }
0x1a: {  	s8 =	sadd.s32 $0xFFFFE003, lr  }
0x1b: {  	s9 =	sadd.s32 $0xFFFFFEF7, lr;
	s5 =	simm.s32 $0xFFFFFFFF;
	p2 =	slt.u32 s8, $0xFFFFF086  }
0x1c: {  	p1 =	slt.u32 s9, $0xF7A;
	s5 =	simm.s32 @!p2 $0x0  }
0x1d: {  	s5 =	simm.s32 @p1 $0x1;
	p0 =	seq.s32 s7, s2  }
0x1e: {  	s7 =	smul.u32 @!p0 $0xF7A, s2;
	p2 =	seq.s32 @!p0 s5, $0x0  }
0x1f: {  	s9 =	smul.u32 $0xF7A, s1;
	s8 =	simm.s32 @!p0 $0x1BF5;
	p2 =	por !p2, p0  }
0x20: {  	[sflag:s8] =	ssyncset.s32 @!p0 $0xFFFFF086;
	s6 =	sadd.s32 @!p0 s3, s7;
	s7 =	simm.s32 @!p0 $0x108  }
0x21: {  	s3 =	sadd.s32 s3, s9;
	s6 =	sadd.s32 @!p0 $0x88, s6;
	s7 =	simm.s32 @p2 $0x1082  }
0x22: {  	[simem:s7], [sflag:s8] =	dma.local @!p0 [hbm:s6], $0xF7A  }
0x23: {  	s9 =	sor.u32 $0xD0000000, s2;
	s6 =	simm.s32 $0x108;
	_ =	swait.ge @!p0 [sflag:s8], $0x0  }
0x24: {  	s3 =	sadd.s32 $0x88, s3;
	s6 =	simm.s32 @!p1 $0x1082;
	[sflag:s4] =	ssyncset.s32 $0xFFFFF086  }
0x25: {  	[simem:s6], [sflag:s4] =	dma.local [hbm:s3], $0xF7A  }
0x26: {  	[smem:$0x3F9F] =	sst s1;
	(tag) =	ssettag s2;
	_ =	strace s9  }
0x27: {  	s1 =	sld [smem:$0x3FAF]  }
0x28: {  	s2 =	sld [smem:$0x3FB0]  }
0x29: {  	s4 =	sld [smem:$0x3FB2]  }
0x2a: {  	p0 =	seq.s32 s5, $0x0;
	s5 =	sld [smem:$0x3FB3]  }
0x2b: {  	s6 =	sld [smem:$0x3FB4]  }
0x2c: {  	s7 =	sld [smem:$0x3FB5]  }
0x2d: {  	s3 =	simm.s32 $0x108;
	s8 =	sld [smem:$0x3FB6]  }
0x2e: {  	s3 =	simm.s32 @!p0 $0x1082;
	s9 =	sld [smem:$0x3FB7]  }
0x2f: {  	lr =	sadd.s32 s0, s3;
	s0 =	sld [smem:$0x3FAE]  }
0x30: {  	s3 =	sld [smem:$0x3FB1]  }
0x31: {  	[smem:$0x3FBA] =	sst s10  }
0x32: {  	s10 =	sld [smem:$0x3FB8];
	_ =	sdelay $0x3  }
0x33: {  	p0 =	seq.s32 s10, $0x1;
	s10 =	sld [smem:$0x3FBA];
	_ =	sdelay $0x3  }
0x34: {  	[smem:$0x3FBA] =	sst s10  }
0x35: {  	s10 =	sld [smem:$0x3FB9];
	_ =	sdelay $0x3  }
0x36: {  	p1 =	seq.s32 s10, $0x1;
	s10 =	sld [smem:$0x3FBA];
	_ =	sdelay $0x3  }
0x37: {  	[smem:$0x3FBA] =	sst s10  }
0x38: {  	s10 =	sld [smem:$0x3FBB]  }
0x39: {  	_ = 	snop;
	(pc) =	sbr.ind lr, $3  }
0x3a: {  	_ = 	snop  }
0x3b: {  	_ = 	snop  }
0x3c: {  	p2 =	seq.s32 s10, $0x1;
	s10 =	sld [smem:$0x3FBA]  }
0x3d: {  	_ =	shalt  }
0x3e: {  	_ =	shalt  }
0x3f: {  	_ =	shalt  }
0x40: {  	_ =	shalt  }
0x41: {  	_ =	shalt  }
0x42: {  	_ =	shalt  }
0x43: {  	_ =	shalt  }
0x44: {  	_ =	shalt  }
0x45: {  	_ =	shalt  }
0x46: {  	_ =	shalt  }
0x47: {  	_ =	shalt  }
0x48: {  	_ =	shalt  }
0x49: {  	_ =	shalt  }
0x4a: {  	_ =	shalt  }
0x4b: {  	_ =	shalt  }
0x4c: {  	_ =	shalt  }
0x4d: {  	_ =	shalt  }
0x4e: {  	_ =	shalt  }
0x4f: {  	_ =	shalt  }
0x50: {  	_ =	shalt  }
0x51: {  	_ =	shalt  }
0x52: {  	_ =	shalt  }
0x53: {  	_ =	shalt  }
0x54: {  	_ =	shalt  }
0x55: {  	_ =	shalt  }
0x56: {  	_ =	shalt  }
0x57: {  	_ =	shalt  }
0x58: {  	_ =	shalt  }
0x59: {  	_ =	shalt  }
0x5a: {  	_ =	shalt  }
0x5b: {  	_ =	shalt  }
0x5c: {  	_ =	shalt  }
0x5d: {  	_ =	shalt  }
0x5e: {  	_ =	shalt  }
0x5f: {  	_ =	shalt  }
0x60: {  	_ =	shalt  }
0x61: {  	_ =	shalt  }
0x62: {  	_ =	shalt  }
0x63: {  	_ =	shalt  }
0x64: {  	_ =	shalt  }
0x65: {  	_ =	shalt  }
0x66: {  	_ =	shalt  }
0x67: {  	_ =	shalt  }
0x68: {  	_ =	shalt  }
0x69: {  	_ =	shalt  }
0x6a: {  	_ =	shalt  }
0x6b: {  	_ =	shalt  }
0x6c: {  	_ =	shalt  }
0x6d: {  	_ =	shalt  }
0x6e: {  	_ =	shalt  }
0x6f: {  	_ =	shalt  }
0x70: {  	_ =	shalt  }
0x71: {  	_ =	shalt  }
0x72: {  	_ =	shalt  }
0x73: {  	_ =	shalt  }
0x74: {  	_ =	shalt  }
0x75: {  	_ =	shalt  }
0x76: {  	_ =	shalt  }
0x77: {  	_ =	shalt  }
0x78: {  	_ =	shalt  }
0x79: {  	_ =	shalt  }
0x7a: {  	_ =	shalt  }
0x7b: {  	_ =	shalt  }
0x7c: {  	_ =	shalt  }
0x7d: {  	_ =	shalt  }
0x7e: {  	_ =	shalt  }
0x7f: {  	_ =	shalt  }
0x80: {  	_ =	shalt  }
0x81: {  	_ =	shalt  }
0x82: {  	_ =	shalt  }
0x83: {  	_ =	shalt  }
0x84: {  	_ =	shalt  }
0x85: {  	_ =	shalt  }
0x86: {  	_ =	shalt  }
0x87: {  	_ =	shalt  }
.Lfunc_end0:
.L_simem_size_0:
called_computation_lowered:
.L_overlay_start_0:
0x88: {  	s2 =	sld [smem:$0x3FD9]  }
0x89: {  	s3 =	sld [smem:$0x3FFE];
	_ =	sdelay $0x1  }
0x8a: {  	s1 =	srdreg.scid  }
0x8b: {  	s0 =	sand.u32 $0x1, s1  }
0x8c: {  	s18 =	sshll.u32 s0, $0xA;
	s2 =	sadd.s32 s3, s2  }
0x8d: {  	s2 =	sadd.s32 s2, s18  }
0x8e: {  	[smem:$0x3FC6] =	sst s2  }
0x8f: {  	_ = 	snop  }
0x90: {  	s2 =	sld [smem:$0x3FC9]  }
0x91: {  	s19 =	sld [smem:$0x3FC8]  }
0x92: {  	s4 =	sld [smem:$0x3FD0];
	(tm) =	ssettm $0x1  }
0x93: {  	s5 =	sld [smem:$0x3FFB];
	_ =	sdelay $0x3  }
0x94: {  	_ =	strace s5  }
0x95: {  	s5 =	sld [smem:$0x3FFC];
	_ =	sdelay $0x3  }
0x96: {  	_ =	strace s5  }
0x97: {  	s5 =	sld [smem:$0x3FFD];
	_ =	sdelay $0x3  }
0x98: {  	_ =	strace s5  }
0x99: {  	_ =	strace $0x8FFFFFFF  }
0x9a: {  	s20 =	sld [smem:$0x3FDB];
	_ =	sdelay $0x1  }
0x9b: {  	s6 =	simm.s32 $_scs_section_size  }
0x9c: {  	s7 =	simm.s32 $_size__tile_overlayer_lowered;
	s8 =	simm.s32 $_tile_overlayer_lowered  }
0x9d: {  	s23 =	simm.s32 $0x1BFF;
	s22 =	sshll.u32 s8, $0x1;
	s5 =	sadd.s32 s6, s20  }
0x9e: {  	s9 =	simm.s32 $0x0;
	s21 =	sshll.u32 s7, $0x1;
	s7 =	sadd.s32 s22, s5  }
0x9f: {  	[timem:s9], [sflag:s23] =	dma.local [hbm:s7], s21  }
0xa0: {  	_ =	swait.ge [sflag:s23], s21  }
0xa1: {  	s6 =	ssub.s32 $0x0, s21;
	[sflag:s23] =	ssyncset.done $0x0  }
0xa2: {  	[sflag:s23] =	ssyncadd.s32 s6;
	_ =	sdelay $0x1  }
0xa3: {  	s24 =	simm.s32 $0x1B8B  }
0xa4: {  	_ =	swait.ge [sflag:s24], $0x1  }
0xa5: {  	[sflag:s24] =	ssyncset.done $0x0  }
0xa6: {  	s25 =	simm.s32 $0x1B8E;
	[sflag:s24] =	ssyncadd.s32 $0xFFFFFFFF  }
0xa7: {  	s26 =	simm.s32 $execute0_lowered;
	[smem:$0x3FD2] =	sst s25  }
0xa8: {  	s6 =	sshll.u32 s26, $0x1;
	_ =	strace $0x80000046;
	[dreg:$0x1] =	wrdreg $0xFFFFFFFF  }
0xa9: {  	s28 =	simm.s32 $_size_execute0_lowered;
	s5 =	sadd.s32 s5, s6;
	[dreg:$0x0] =	wrdreg $0x0  }
0xaa: {  	s6 =	sshll.u32 s28, $0x1;
	[dreg:$0x2] =	wrdreg s5  }
0xab: {  	[dreg:$0x3] =	wrdreg s6  }
0xac: {  	[dreg:$0x4] =	wrdreg $0xC0  }
0xad: {  	_ =	task [dreg:s9], $0x5FFFF  }
0xae: {  	[dreg:$0x1] =	wrdreg $0xFFFFFFFF  }
0xaf: {  	[dreg:$0x0] =	wrdreg $0x60  }
0xb0: {  	[dreg:$0x2] =	wrdreg s2  }
0xb1: {  	[dreg:$0x3] =	wrdreg s19  }
0xb2: {  	[dreg:$0x4] =	wrdreg s4  }
0xb3: {  	[dreg:$0x5] =	wrdreg $0x9  }
0xb4: {  	_ =	task.clear_ibuf [dreg:s9], $0x6FFFF;
	_ =	strace $0x90000046  }
0xb5: {  	s29 =	simm.s32 $0x9;
	_ =	strace $0x80000048  }
0xb6: {  	_ =	swait.ge [sflag:s29], $0x1  }
0xb7: {  	[sflag:s29] =	ssyncadd.s32 $0xFFFFFFFF  }
0xb8: {  	_ =	strace $0x90000048  }
0xb9: {  	_ =	sfence  }
0xba: {  	s30 =	sld [smem:$0x0];
	_ =	sdelay $0x2  }
0xbb: {  	s31 =	sshll.u32 s1, $0xD;
	s1 =	sshrl.u32 s1, $0x2  }
0xbc: {  	s3 =	sand.u32 $0x4000, s31;
	s1 =	sadd.s32 s1, s30  }
0xbd: {  	s0 =	sor.u32 s3, s0;
	s1 =	sshll.u32 s1, $0x11  }
0xbe: {  	s0 =	sor.u32 s1, s0  }
0xbf: {  	s0 =	sadd.s32 $0x8F2B, s0  }
0xc0: {  	[sflag:s0] =	ssyncadd.remote.s32 $0x1  }
0xc1: {  	_ =	sfence.sel $0xFFFF  }
0xc2: {  	[dreg:$0x0] =	wrdreg $0xFFFFFFFF;
	(pc) =	sbr.abs _section_cstart, $3  }
0xc3: {  	[dreg:$0x1] =	wrdreg $0xFFFFFFFF  }
0xc4: {  	_ =	task.clear_ibuf [dreg:s9], $0x2FFFF;
	_ =	strace $0x9FFFFFFF  }
0xc5: {  	(tm) =	ssettm $0x7FFFFFFF  }
tec
execute0_lowered:
.L_overlay_start_1:
0x0: {  	(tag) =	ssettag $0x1  }
0x1: {  	s2 =	rddreg [dreg:$0x0]  }
0x2: {  	s1 =	srdreg.scid;
	s3 =	rddreg [dreg:$0x1]  }
0x3: {  	s0 =	stileid.u32;
	s5 =	rddreg [dreg:$0x2];
	s6 =	simm.s32 $0x0  }
0x4: {  	s15 =	simm.s32 $0x4200;
	s17 =	simm.s32 $0x180;
	s16 =	simm.s32 $0x2  }
0x5: {  	s18 =	simm.s32 $0xC200;
	s19 =	simm.s32 $0x5;
	s9 =	smul.u32 $0x3200, s0  }
0x6: {  	s8 =	sand.u32 $0x1, s1;
	s29 =	sshll.u32 s0, $0x1;
	s12 =	smul.u32 $0xC80000, s0  }
0x7: {  	s20 =	simm.s32 $0x6;
	s1 =	sor.u32 s8, s29;
	s10 =	smul.u32 $0x1900, s8  }
0x8: {  	s21 =	simm.s32 $0x0;
	[smem:$0x7FF] =	sst s6;
	s4 =	smul.u32 $0x190, s1  }
0x9: {  	s11 =	ssub.s32 $0x2, s8;
	s7 =	smul.u32 $0x1900, s1;
	s1 =	rddreg [dreg:$0x3]  }
0xa: {  	s14 =	smul.u32 $0x640000, s8;
	_ =	strace $0x80000047;
	[dreg:$0x6] =	wrdreg s15  }
0xb: {  	s13 =	sshrl.u32 s11, $0x1;
	s15 =	simm.s32 $0x3;
	[dreg:$0x7] =	wrdreg s17  }
0xc: {  	s17 =	simm.s32 $0x8200;
	[dreg:$0x8] =	wrdreg s18;
	s18 =	simm.s32 $0x4  }
0xd: {  	s11 =	ssub.s32 s11, s13;
	s10 =	sadd.s32 s10, s9;
	s12 =	sadd.s32 s14, s12  }
0xe: {  	s13 =	simm.s32 $0x80;
	s14 =	simm.s32 $0x200;
	s7 =	sadd.s32 s3, s7  }
0xf: {  	s30 =	sor.u32 $0x2, s4;
	s9 =	smax.u32 s11, $0x1;
	[dreg:$0x5] =	wrdreg s10  }
0x10: {  	s31 =	sshrl.u32 s12, $0x3;
	s11 =	simm.s32 $0x100;
	s12 =	simm.s32 $0x1  }
0x11: {  	s8 =	sadd.s32 $0x20, s7;
	[dreg:$0x4] =	wrdreg s30;
	s10 =	sadd.s32 s31, s5  }
.LBB2_1:
0x12: {  	[tilespmem:s6], [sflag:$0x1] =	stream.linear.gather [hbm4b:s7+s6], $0x100, $0x38;
	[tilespmem:$0x10200] =	vst v63  }
0x13: {  	_ = 	snop  }
0x14: {  	[tilespmem:s11], [sflag:$0x2] =	stream.linear.gather [hbm4b:s8+s6], $0x100, $0x38;
	[tilespmem:$0x10200] =	vst v63  }
0x15: {  	_ =	swait.ge [sflag:s12], $0x100  }
0x16: {  	p1 =	por $0x1, $0x1;
	[sflag:s12] =	ssyncset.done $0x0  }
0x17: {  	s22 =	simm.s32 @!p1 $0x5;
	[sflag:s12] =	ssyncadd.s32 $0xFFFFFF00  }
0x18: {  	_ =	swait.ge @!p1 [sflag:s22], $0x8000  }
0x19: {  	[sflag:s22] =	ssyncset.done @!p1 $0x0  }
0x1a: {  	[sflag:s22] =	ssyncadd.s32 @!p1 $0xFFFF8000  }
0x1b: {  	[tilespmem:s14], [sflag:$0x3] =	stream.indirect.gather [hbm4b:s2+s13], $0x80, s6, s13, $0xb8;
	[tilespmem:$0x10200] =	vst v63  }
0x1c: {  	s28 =	rddreg [dreg:$0x6]  }
0x1d: {  	[tilespmem:s28], [sflag:$0x3] =	stream.indirect.gather [hbm4b:s2+s13], $0x80, s13, s13, $0xb8;
	[tilespmem:$0x10200] =	vst v63  }
0x1e: {  	_ =	swait.ge [sflag:s15], $0x4000  }
0x1f: {  	[sflag:s15] =	ssyncset.done $0x0  }
0x20: {  	[sflag:s15] =	ssyncadd.s32 $0xFFFFC000  }
0x21: {  	_ =	swait.ge [sflag:s15], $0x4000  }
0x22: {  	s23 =	simm.s32 $0x40;
	p0 =	por $0x0, $0x0;
	s22 =	rddreg [dreg:$0x5]  }
0x23: {  	s23 =	sand.u32 @!p0 $0x40, s23;
	s22 =	sadd.s32 @!p0 $0x40, s22  }
0x24: {  	s23 =	sadd.s32 @!p0 s3, s23;
	[sflag:s15] =	ssyncset.done $0x0;
	s22 =	sand.u32 @!p0 $0xFFFFF80, s22  }
0x25: {  	[sflag:s15] =	ssyncadd.s32 $0xFFFFC000;
	s22 =	sadd.s32 @!p0 s22, s23;
	s23 =	simm.s32 @!p0 $0x0  }
0x26: {  	[tilespmem:s23], [sflag:$0x1] =	stream.linear.gather @!p0 [hbm4b:s22+s23], $0x100, $0x38;
	[tilespmem:$0x10200] =	vst v63  }
0x27: {  	_ = 	snop  }
0x28: {  	[hbm4b:s10+s6] =	stream.linear.scatter [tilespmem:s14], [sflag:$0x5], $0x8000, $0x38;
	[tilespmem:$0x10200] =	vst v63  }
0x29: {  	s29 =	rddreg [dreg:$0x4];
	_ =	swait.ge [sflag:s16], $0x100  }
0x2a: {  	[sflag:s16] =	ssyncset.done $0x0  }
0x2b: {  	s24 =	simm.s32 @!p1 $0x6;
	[sflag:s16] =	ssyncadd.s32 $0xFFFFFF00  }
0x2c: {  	_ =	swait.ge @!p1 [sflag:s24], $0x8000  }
0x2d: {  	s26 =	simm.s32 $0x0;
	[sflag:s24] =	ssyncset.done @!p1 $0x0  }
0x2e: {  	s26 =	simm.s32 @p0 $0x18C;
	s25 =	rddreg [dreg:$0x8];
	[sflag:s24] =	ssyncadd.s32 @!p1 $0xFFFF8000  }
0x2f: {  	[tilespmem:s17], [sflag:$0x4] =	stream.indirect.gather [hbm4b:s2+s13], $0x80, s11, s13, $0xb8;
	[tilespmem:$0x10200] =	vst v63  }
0x30: {  	s22 =	sadd.s32 s26, s29;
	s30 =	rddreg [dreg:$0x7]  }
0x31: {  	[tilespmem:s25], [sflag:$0x4] =	stream.indirect.gather [hbm4b:s2+s13], $0x80, s30, s13, $0xb8;
	[tilespmem:$0x10200] =	vst v63  }
0x32: {  	s24 =	sadd.s32 @!p0 $0x6, s26;
	s26 =	sshll.u32 s22, $0xB;
	_ =	swait.ge [sflag:s18], $0x4000  }
0x33: {  	s22 =	sshll.u32 @!p0 s24, $0x4;
	s31 =	sand.u32 $0x1FFFF000, s26;
	[sflag:s18] =	ssyncset.done $0x0  }
0x34: {  	s22 =	sand.u32 @!p0 $0x60, s22;
	s25 =	sadd.s32 @!p0 s4, s24;
	[sflag:s18] =	ssyncadd.s32 $0xFFFFC000  }
0x35: {  	s22 =	sadd.s32 @!p0 s3, s22;
	s24 =	sshll.u32 @!p0 s25, $0x4;
	_ =	swait.ge [sflag:s18], $0x4000  }
0x36: {  	s25 =	sadd.s32 s5, s31;
	s24 =	sand.u32 @!p0 $0xFFFFF80, s24;
	[sflag:s18] =	ssyncset.done $0x0  }
0x37: {  	s22 =	sadd.s32 @!p0 s24, s22;
	s24 =	simm.s32 @!p0 $0x100;
	[sflag:s18] =	ssyncadd.s32 $0xFFFFC000  }
0x38: {  	[tilespmem:s24], [sflag:$0x2] =	stream.linear.gather @!p0 [hbm4b:s22+s23], $0x100, $0x38;
	[tilespmem:$0x10200] =	vst v63  }
0x39: {  	s22 =	simm.s32 $0x80;
	s23 =	simm.s32 $0x4;
	s24 =	sadd.s32 $0x2000, s10  }
.LBB2_2:
0x3a: {  	[hbm4b:s25+s6] =	stream.linear.scatter [tilespmem:s17], [sflag:$0x6], $0x8000, $0x38;
	[tilespmem:$0x10200] =	vst v63  }
0x3b: {  	s25 =	smov.u32 s22;
	_ =	swait.ge [sflag:s12], $0x100  }
0x3c: {  	p1 =	seq.s32 s25, $0x40;
	[sflag:s12] =	ssyncset.done $0x0  }
0x3d: {  	s26 =	simm.s32 @!p1 $0x5;
	[sflag:s12] =	ssyncadd.s32 $0xFFFFFF00  }
0x3e: {  	_ =	swait.ge @!p1 [sflag:s26], $0x8000  }
0x3f: {  	[sflag:s26] =	ssyncset.done @!p1 $0x0  }
0x40: {  	[sflag:s26] =	ssyncadd.s32 @!p1 $0xFFFF8000  }
0x41: {  	[tilespmem:s14], [sflag:$0x3] =	stream.indirect.gather [hbm4b:s2+s13], $0x80, s6, s13, $0xb8;
	[tilespmem:$0x10200] =	vst v63  }
0x42: {  	s30 =	rddreg [dreg:$0x6]  }
0x43: {  	[tilespmem:s30], [sflag:$0x3] =	stream.indirect.gather [hbm4b:s2+s13], $0x80, s13, s13, $0xb8;
	[tilespmem:$0x10200] =	vst v63  }
0x44: {  	_ =	swait.ge [sflag:s15], $0x4000  }
0x45: {  	[sflag:s15] =	ssyncset.done $0x0  }
0x46: {  	[sflag:s15] =	ssyncadd.s32 $0xFFFFC000  }
0x47: {  	_ =	swait.ge [sflag:s15], $0x4000  }
0x48: {  	p2 =	seq.s32 s25, $0x1900;
	s26 =	rddreg [dreg:$0x5]  }
0x49: {  	s26 =	sadd.s32 @!p2 s25, s26;
	s25 =	sand.u32 @!p2 $0x40, s25  }
0x4a: {  	[sflag:s15] =	ssyncset.done $0x0;
	s26 =	sand.u32 @!p2 $0xFFFFF80, s26;
	s25 =	sadd.s32 @!p2 s3, s25  }
0x4b: {  	[sflag:s15] =	ssyncadd.s32 $0xFFFFC000;
	s25 =	sadd.s32 @!p2 s26, s25;
	s26 =	simm.s32 @!p2 $0x0  }
0x4c: {  	[tilespmem:s26], [sflag:$0x1] =	stream.linear.gather @!p2 [hbm4b:s25+s26], $0x100, $0x38;
	[tilespmem:$0x10200] =	vst v63  }
0x4d: {  	_ = 	snop  }
0x4e: {  	[hbm4b:s24+s6] =	stream.linear.scatter [tilespmem:s14], [sflag:$0x5], $0x8000, $0x38;
	[tilespmem:$0x10200] =	vst v63  }
0x4f: {  	s31 =	rddreg [dreg:$0x4];
	_ =	swait.ge [sflag:s16], $0x100  }
0x50: {  	[sflag:s16] =	ssyncset.done $0x0  }
0x51: {  	s28 =	smov.u32 s23;
	s29 =	simm.s32 @!p1 $0x6;
	[sflag:s16] =	ssyncadd.s32 $0xFFFFFF00  }
0x52: {  	s22 =	sadd.s32 $0x40, s22;
	s28 =	simm.s32 @p2 $0x18C;
	_ =	swait.ge @!p1 [sflag:s29], $0x8000  }
0x53: {  	s23 =	sadd.s32 $0x4, s23;
	s25 =	sadd.s32 s28, s31;
	[sflag:s29] =	ssyncset.done @!p1 $0x0  }
0x54: {  	s28 =	sadd.s32 @!p2 $0x6, s28;
	s31 =	rddreg [dreg:$0x8];
	[sflag:s29] =	ssyncadd.s32 @!p1 $0xFFFF8000  }
0x55: {  	[tilespmem:s17], [sflag:$0x4] =	stream.indirect.gather [hbm4b:s2+s13], $0x80, s11, s13, $0xb8;
	[tilespmem:$0x10200] =	vst v63  }
0x56: {  	p0 =	sne.s32 s22, $0x1940;
	s30 =	sadd.s32 @!p2 s4, s28;
	s29 =	rddreg [dreg:$0x7]  }
0x57: {  	[tilespmem:s31], [sflag:$0x4] =	stream.indirect.gather [hbm4b:s2+s13], $0x80, s29, s13, $0xb8;
	[tilespmem:$0x10200] =	vst v63  }
0x58: {  	s25 =	sshll.u32 s25, $0xB;
	s28 =	sshll.u32 @!p2 s28, $0x4;
	_ =	swait.ge [sflag:s18], $0x4000  }
0x59: {  	s30 =	sshll.u32 @!p2 s30, $0x4;
	s25 =	sand.u32 $0x1FFFF000, s25;
	[sflag:s18] =	ssyncset.done $0x0  }
.Ltmp0:
0x5a: {  	s28 =	sand.u32 @!p2 $0x60, s28;
	[sflag:s18] =	ssyncadd.s32 $0xFFFFC000;
	(pc) =	sbr.rel @p0 .LBB2_2-.Ltmp0, $4  }
0x5b: {  	s24 =	sadd.s32 $0x2000, s24;
	s30 =	sand.u32 @!p2 $0xFFFFF80, s30;
	_ =	swait.ge [sflag:s18], $0x4000  }
0x5c: {  	s28 =	sadd.s32 @!p2 s3, s28;
	s25 =	sadd.s32 s5, s25;
	[sflag:s18] =	ssyncset.done $0x0  }
0x5d: {  	s28 =	sadd.s32 @!p2 s30, s28;
	s29 =	simm.s32 @!p2 $0x100;
	[sflag:s18] =	ssyncadd.s32 $0xFFFFC000  }
0x5e: {  	[tilespmem:s29], [sflag:$0x2] =	stream.linear.gather @!p2 [hbm4b:s28+s26], $0x100, $0x38;
	[tilespmem:$0x10200] =	vst v63  }
0x5f: {  	[hbm4b:s25+s6] =	stream.linear.scatter [tilespmem:s17], [sflag:$0x6], $0x8000, $0x38;
	[tilespmem:$0x10200] =	vst v63  }
0x60: {  	s21 =	sadd.s32 $0x1, s21  }
0x61: {  	_ =	swait.ge [sflag:s19], $0x8000;
	p0 =	sne.s32 s21, s9  }
.Ltmp1:
0x62: {  	[sflag:s19] =	ssyncset.done $0x0;
	(pc) =	sbr.rel @p0 .LBB2_1-.Ltmp1, $4  }
0x63: {  	[sflag:s19] =	ssyncadd.s32 $0xFFFF8000  }
0x64: {  	_ =	swait.ge [sflag:s20], $0x8000  }
0x65: {  	[sflag:s20] =	ssyncset.done $0x0  }
0x66: {  	[sflag:s20] =	ssyncadd.s32 $0xFFFF8000  }
0x67: {  	_ =	sfence.sel $0x180000  }
0x68: {  	[bflag:$0x0] =	sbarrier.arrive $0xFFFF  }
0x69: {  	p0 =	sne.s32 s0, $0x0;
	_ =	strace $0x90000047  }
0x6a: {  	s0 =	sadd.s32 @!p0 $0x100000, s1;
	[bflag:$0x2] =	sbarrier.arrive $0xFFFF  }
0x6b: {  	[sflag:s0] =	ssyncadd.tile.s32 @!p0 $0x1;
	_ =	shalt  }
.Lfunc_end2:
_tile_overlayer_lowered:
.L_overlay_start_2:
0x6c: {  	(tag) =	ssettag $0x2  }
0x6d: {  	s0 =	rddreg [dreg:$0x0];
	s2 =	stileid.u32  }
0x6e: {  	s1 =	rddreg [dreg:$0x1];
	p0 =	sne.s32 s2, $0x0  }
0x6f: {  	s3 =	rddreg [dreg:$0x2];
	[bflag:$0x3] =	sbarrier.arrive $0xFFFF;
	s2 =	simm.s32 @!p0 $0x1C07  }
0x70: {  	[timem:s3], [sflag:s2] =	dma.local @!p0 [hbm:s0], s1  }
0x71: {  	s0 =	simm.s32 @!p0 $0x7  }
0x72: {  	_ =	swait.ge @!p0 [sflag:s0], s1  }
0x73: {  	s1 =	ssub.s32 @!p0 $0x0, s1;
	[sflag:s0] =	ssyncset.done @!p0 $0x0  }
0x74: {  	[sflag:s0] =	ssyncadd.s32 @!p0 s1  }
0x75: {  	[bflag:$0x3] =	sbarrier.arrive $0xFFFF  }
0x76: {  	_ =	shalt  }

</sc_bundles>
